<compile_context>
chip_gen: v7x
topology: tpu7x:2x2x1
jax: 0.10.2.dev20260603
libtpu: 0.0.44.dev20260713+nightly
codegen_flags: <defaults>
</compile_context>

<pallas_src>
import functools

import jax
import jax.numpy as jnp
from jax import lax
from jax.experimental import pallas as pl
from jax.experimental.pallas import tpu as pltpu
from jax.experimental.pallas import tpu_sc as plsc


_BLK = 16384


def _transpose_body(w_ref, o_ref):
    d = w_ref.shape[0]
    h = _BLK // 2
    t = w_ref[...].T
    o_ref[:, 0:d] = t[0:h]
    o_ref[:, d : 2 * d] = t[h:_BLK]


def _transpose(w):
    d, v = w.shape
    nblk = pl.cdiv(v, _BLK)
    return pl.pallas_call(
        _transpose_body,
        grid=(nblk,),
        in_specs=[pl.BlockSpec((d, _BLK), lambda i: (0, i))],
        out_specs=pl.BlockSpec((_BLK // 2, 2 * d), lambda i: (i, 0)),
        out_shape=jax.ShapeDtypeStruct((nblk * _BLK // 2, 2 * d), w.dtype),
    )(w)


def _table_row(v):
    hi = v & ~(_BLK - 1)
    lo = v & (_BLK - 1)
    return hi | ((lo & (_BLK // 2 - 1)) << 1) | (lo >> 13)


def _make_gather(n, d):
    info = plsc.get_sparse_core_info()
    nw = info.num_cores * info.num_subcores
    per_w = n // nw
    assert n % nw == 0
    chunk = 800
    assert per_w % chunk == 0 and chunk % 8 == 0
    nchunks = per_w // chunk
    assert nchunks % 2 == 0
    mesh = plsc.VectorSubcoreMesh(core_axis_name="c", subcore_axis_name="s")

    @functools.partial(
        pl.kernel,
        mesh=mesh,
        out_type=jax.ShapeDtypeStruct((n, d), jnp.float32),
        compiler_params=pltpu.CompilerParams(use_tc_tiling_on_sc=False),
        scratch_types=[
            pltpu.VMEM((per_w,), jnp.int32),
            pltpu.VMEM((2, chunk, d), jnp.float32),
            pltpu.SemaphoreType.DMA,
            pltpu.SemaphoreType.DMA,
        ],
    )
    def gather(wt_hbm, idx_hbm, out_hbm, idx_v, rows_v, sem0, sem1):
        wid = lax.axis_index("s") * info.num_cores + lax.axis_index("c")
        base = wid * per_w
        sems = (sem0, sem1)
        pltpu.sync_copy(idx_hbm.at[pl.ds(base, per_w)], idx_v)

        def start_gather(g, b):
            pltpu.make_async_copy(
                wt_hbm.at[idx_v.at[pl.ds(g * chunk, chunk)]],
                rows_v.at[b],
                sems[b],
            ).start()

        def finish_chunk(g, b):
            pltpu.make_async_copy(
                wt_hbm.at[idx_v.at[pl.ds(g * chunk, chunk)]],
                rows_v.at[b],
                sems[b],
            ).wait()
            pltpu.sync_copy(
                rows_v.at[b],
                out_hbm.at[pl.ds(base + g * chunk, chunk)],
            )

        start_gather(0, 0)
        start_gather(1, 1)

        def body(i, carry):
            g = i * 2
            for b in range(2):
                finish_chunk(g + b, b)
                start_gather(g + b + 2, b)
            return carry

        lax.fori_loop(0, nchunks // 2 - 1, body, 0, unroll=False)
        finish_chunk(nchunks - 2, 0)
        finish_chunk(nchunks - 1, 1)

    return gather


def _format_body(in_ref, o_ref):
    t = in_ref[...].T
    o_ref[:, 0:2048] = t[0:64]
    o_ref[:, 2048:4096] = t[64:128]


def _format(rows2, p, b):
    return pl.pallas_call(
        _format_body,
        grid=(p,),
        in_specs=[pl.BlockSpec((b // 2, 128), lambda i: (i, 0))],
        out_specs=pl.BlockSpec((64, b), lambda i: (i, 0)),
        out_shape=jax.ShapeDtypeStruct((p * 64, b), jnp.float32),
    )(rows2)


def kernel(x, W_E):
    b, p = x.shape
    d, v = W_E.shape
    n = b * p
    wt2 = _transpose(W_E)
    wt = wt2.reshape(2 * wt2.shape[0], d)
    xw = jnp.swapaxes(x.T.reshape(p, 2, b // 2), 1, 2).reshape(n)
    idx = _table_row(xw.astype(jnp.int32))
    out_pm = _make_gather(n, d)(wt, idx)
    out2 = _format(out_pm.reshape(n // 2, 128), p, b)
    return out2.reshape(p, d, b).transpose(2, 0, 1)

# --- scband reference (transcript-rebuilt; emitter-appended) ---
"""Pipeline reference for scband-embed-23785528886095 (READ-ONLY COPY).

The authoritative reference and input builder live on the scoring server;
editing this copy changes nothing except your own understanding.
"""

import jax, jax.numpy as jnp
import numpy as np

D_MODEL = 64
D_VOCAB = 1000000

def setup_inputs(seed: int = 0) -> dict:
    key = jax.random.key(seed)
    k_x, k_w = jax.random.split(key)
    x = jax.random.randint(k_x, (4096, 200), 0, D_VOCAB, dtype=jnp.int64 if jax.config.jax_enable_x64 else jnp.int32)
    W_E = jax.random.normal(k_w, (D_MODEL, D_VOCAB), dtype=jnp.float32) / np.sqrt(D_MODEL)
    return {"x": x, "W_E": W_E}

def reference(x, W_E):
    # torch: self.W_E[:, x] -> [d, b, p]; einsum('dbp -> bpd') -> [b, p, d]
    gathered = jnp.take(W_E, x, axis=1)  # [d, b, p]
    return jnp.einsum('dbp->bpd', gathered)

if __name__ == "__main__":
    import jax
    _d = setup_inputs()
    print(jax.jit(kernel)(*tuple(_d.values())))

</pallas_src>

<mosaic_0001>
#map = affine_map<(d0, d1) -> (0, 0)>
#map1 = affine_map<(d0, d1) -> (0)>
module attributes {stable_mosaic.version = 14 : i64} {
  func.func @gather(%arg0: i32, %arg1: i32, %arg2: memref<1015808x64xf32, #tpu.memory_space<hbm>>, %arg3: memref<819200xi32, #tpu.memory_space<hbm>>, %arg4: memref<819200x64xf32, #tpu.memory_space<hbm>>, %arg5: memref<25600xi32, #tpu.memory_space<vmem>>, %arg6: memref<2x800x64xf32, #tpu.memory_space<vmem>>, %arg7: memref<!tpu.dma_semaphore, #tpu.memory_space<semaphore_mem>>, %arg8: memref<!tpu.dma_semaphore, #tpu.memory_space<semaphore_mem>>) attributes {dimension_semantics = [#tpu.dimension_semantics<core_parallel>, #tpu.dimension_semantics<subcore_parallel>], iteration_bounds = array<i64: 2, 16>, scalar_prefetch = 0 : i64, scratch_operands = 4 : i64, tpu.core_type = #tpu.core_type<sc_vector_subcore>, window_params = [{transform_indices = #map}, {transform_indices = #map1}, {transform_indices = #map}]} {
    %mul3A = arith.constant 2 : i32
    %mul3A_0 = arith.muli %arg1, %mul3A : i32
    %add3A = arith.addi %mul3A_0, %arg0 : i32
    %mul3A_1 = arith.constant 25600 : i32
    %mul3A_2 = arith.muli %add3A, %mul3A_1 : i32
    "tpu.region"() ({
      %run_scoped3A_51 = tpu.sem_alloc : memref<!tpu.dma_semaphore, #tpu.memory_space<semaphore_mem>>
      %dma_start3A_52 = tpu.memref_slice %arg3[%mul3A_2] : memref<819200xi32, #tpu.memory_space<hbm>> -> memref<25600xi32, #tpu.memory_space<hbm>>
      %dma_start3A_53 = tpu.memref_slice %arg3[%mul3A_2] : memref<819200xi32, #tpu.memory_space<hbm>> -> memref<25600xi32, #tpu.memory_space<hbm>>
      tpu.enqueue_dma source(%dma_start3A_53 : memref<25600xi32, #tpu.memory_space<hbm>>) target(%arg5 : memref<25600xi32, #tpu.memory_space<vmem>>) target_semaphore(%run_scoped3A_51 : memref<!tpu.dma_semaphore, #tpu.memory_space<semaphore_mem>>)
      %dma_wait3A_54 = tpu.memref_slice %arg3[%mul3A_2] : memref<819200xi32, #tpu.memory_space<hbm>> -> memref<25600xi32, #tpu.memory_space<hbm>>
      %dma_wait3A_55 = tpu.memref_slice %arg3[%mul3A_2] : memref<819200xi32, #tpu.memory_space<hbm>> -> memref<25600xi32, #tpu.memory_space<hbm>>
      tpu.wait_dma2 semaphore(%run_scoped3A_51 : memref<!tpu.dma_semaphore, #tpu.memory_space<semaphore_mem>>) src(%dma_wait3A_55 : memref<25600xi32, #tpu.memory_space<hbm>>) dst(%arg5 : memref<25600xi32, #tpu.memory_space<vmem>>)
      tpu.yield
    }) : () -> ()
    %dma_start3A = arith.constant 0 : i32
    %dma_start3A_3 = arith.constant 0 : i32
    %dma_start3A_4 = arith.constant 0 : i32
    %dma_start3A_5 = tpu.memref_slice %arg6[%dma_start3A, %dma_start3A_3, %dma_start3A_4] : memref<2x800x64xf32, #tpu.memory_space<vmem>> -> memref<1x800x64xf32, #tpu.memory_space<vmem>>
    %dma_start3A_6 = tpu.memref_squeeze %dma_start3A_5 : memref<1x800x64xf32, #tpu.memory_space<vmem>> -> memref<800x64xf32, #tpu.memory_space<vmem>>
    %dma_start3A_7 = arith.constant 0 : i32
    %dma_start3A_8 = tpu.memref_slice %arg5[%dma_start3A_7] : memref<25600xi32, #tpu.memory_space<vmem>> -> memref<800xi32, #tpu.memory_space<vmem>>
    %dma_start3A_9 = arith.constant 0 : i32
    %dma_start3A_10 = arith.constant 0 : i32
    %dma_start3A_11 = tpu.memref_slice %arg2[%dma_start3A_9, %dma_start3A_10] : memref<1015808x64xf32, #tpu.memory_space<hbm>> -> memref<1015808x64xf32, #tpu.memory_space<hbm>>
    tpu.enqueue_indirect_dma source(%dma_start3A_11 : memref<1015808x64xf32, #tpu.memory_space<hbm>>) target(%dma_start3A_6 : memref<800x64xf32, #tpu.memory_space<vmem>>) offsets(%dma_start3A_8 : memref<800xi32, #tpu.memory_space<vmem>>) semaphore(%arg7 : memref<!tpu.dma_semaphore, #tpu.memory_space<semaphore_mem>>)
    %dma_start3A_12 = arith.constant 1 : i32
    %dma_start3A_13 = arith.constant 0 : i32
    %dma_start3A_14 = arith.constant 0 : i32
    %dma_start3A_15 = tpu.memref_slice %arg6[%dma_start3A_12, %dma_start3A_13, %dma_start3A_14] : memref<2x800x64xf32, #tpu.memory_space<vmem>> -> memref<1x800x64xf32, #tpu.memory_space<vmem>>
    %dma_start3A_16 = tpu.memref_squeeze %dma_start3A_15 : memref<1x800x64xf32, #tpu.memory_space<vmem>> -> memref<800x64xf32, #tpu.memory_space<vmem>>
    %dma_start3A_17 = arith.constant 800 : i32
    %dma_start3A_18 = tpu.memref_slice %arg5[%dma_start3A_17] : memref<25600xi32, #tpu.memory_space<vmem>> -> memref<800xi32, #tpu.memory_space<vmem>>
    %dma_start3A_19 = arith.constant 0 : i32
    %dma_start3A_20 = arith.constant 0 : i32
    %dma_start3A_21 = tpu.memref_slice %arg2[%dma_start3A_19, %dma_start3A_20] : memref<1015808x64xf32, #tpu.memory_space<hbm>> -> memref<1015808x64xf32, #tpu.memory_space<hbm>>
    tpu.enqueue_indirect_dma source(%dma_start3A_21 : memref<1015808x64xf32, #tpu.memory_space<hbm>>) target(%dma_start3A_16 : memref<800x64xf32, #tpu.memory_space<vmem>>) offsets(%dma_start3A_18 : memref<800xi32, #tpu.memory_space<vmem>>) semaphore(%arg8 : memref<!tpu.dma_semaphore, #tpu.memory_space<semaphore_mem>>)
    %scan3A = arith.constant 0 : i32
    %scan3A_22 = arith.constant 0 : i32
    %scan3A_23 = arith.constant 15 : i32
    %scan3A_24 = arith.addi %scan3A_22, %scan3A_23 : i32
    %scan3A_25 = arith.constant 1 : i32
    scf.for %scan3A_51 = %scan3A_22 to %scan3A_24 step %scan3A_25  : i32 {
      %mul3A_52 = arith.constant 2 : i32
      %mul3A_53 = arith.muli %scan3A_51, %mul3A_52 : i32
      %add3A_54 = arith.constant 0 : i32
      %add3A_55 = arith.addi %mul3A_53, %add3A_54 : i32
      %mul3A_56 = arith.constant 800 : i32
      %mul3A_57 = arith.muli %add3A_55, %mul3A_56 : i32
      %dma_wait3A_58 = arith.constant 0 : i32
      %dma_wait3A_59 = arith.constant 0 : i32
      %dma_wait3A_60 = arith.constant 0 : i32
      %dma_wait3A_61 = tpu.memref_slice %arg6[%dma_wait3A_58, %dma_wait3A_59, %dma_wait3A_60] : memref<2x800x64xf32, #tpu.memory_space<vmem>> -> memref<1x800x64xf32, #tpu.memory_space<vmem>>
      %dma_wait3A_62 = tpu.memref_squeeze %dma_wait3A_61 : memref<1x800x64xf32, #tpu.memory_space<vmem>> -> memref<800x64xf32, #tpu.memory_space<vmem>>
      %dma_wait3A_63 = tpu.memref_slice %arg5[%mul3A_57] : memref<25600xi32, #tpu.memory_space<vmem>> -> memref<800xi32, #tpu.memory_space<vmem>>
      %dma_wait3A_64 = arith.constant 0 : i32
      %dma_wait3A_65 = arith.constant 0 : i32
      %dma_wait3A_66 = tpu.memref_slice %arg2[%dma_wait3A_64, %dma_wait3A_65] : memref<1015808x64xf32, #tpu.memory_space<hbm>> -> memref<1015808x64xf32, #tpu.memory_space<hbm>>
      tpu.wait_indirect_dma semaphore(%arg7 : memref<!tpu.dma_semaphore, #tpu.memory_space<semaphore_mem>>) src(%dma_wait3A_66 : memref<1015808x64xf32, #tpu.memory_space<hbm>>) dst(%dma_wait3A_62 : memref<800x64xf32, #tpu.memory_space<vmem>>)
      %mul3A_67 = arith.constant 800 : i32
      %mul3A_68 = arith.muli %add3A_55, %mul3A_67 : i32
      %add3A_69 = arith.addi %mul3A_2, %mul3A_68 : i32
      %run_scoped3A_70 = arith.constant 0 : i32
      "tpu.region"() ({
        %run_scoped3A_118 = tpu.sem_alloc : memref<!tpu.dma_semaphore, #tpu.memory_space<semaphore_mem>>
        %dma_start3A_119 = arith.constant 0 : i32
        %dma_start3A_120 = arith.constant 0 : i32
        %dma_start3A_121 = tpu.memref_slice %arg6[%run_scoped3A_70, %dma_start3A_119, %dma_start3A_120] : memref<2x800x64xf32, #tpu.memory_space<vmem>> -> memref<1x800x64xf32, #tpu.memory_space<vmem>>
        %dma_start3A_122 = tpu.memref_squeeze %dma_start3A_121 : memref<1x800x64xf32, #tpu.memory_space<vmem>> -> memref<800x64xf32, #tpu.memory_space<vmem>>
        %dma_start3A_123 = arith.constant 0 : i32
        %dma_start3A_124 = tpu.memref_slice %arg4[%add3A_69, %dma_start3A_123] : memref<819200x64xf32, #tpu.memory_space<hbm>> -> memref<800x64xf32, #tpu.memory_space<hbm>>
        %dma_start3A_125 = arith.constant 0 : i32
        %dma_start3A_126 = tpu.memref_slice %arg4[%add3A_69, %dma_start3A_125] : memref<819200x64xf32, #tpu.memory_space<hbm>> -> memref<800x64xf32, #tpu.memory_space<hbm>>
        %dma_start3A_127 = arith.constant 0 : i32
        %dma_start3A_128 = arith.constant 0 : i32
        %dma_start3A_129 = tpu.memref_slice %arg6[%run_scoped3A_70, %dma_start3A_127, %dma_start3A_128] : memref<2x800x64xf32, #tpu.memory_space<vmem>> -> memref<1x800x64xf32, #tpu.memory_space<vmem>>
        %dma_start3A_130 = tpu.memref_squeeze %dma_start3A_129 : memref<1x800x64xf32, #tpu.memory_space<vmem>> -> memref<800x64xf32, #tpu.memory_space<vmem>>
        tpu.enqueue_dma source(%dma_start3A_130 : memref<800x64xf32, #tpu.memory_space<vmem>>) target(%dma_start3A_126 : memref<800x64xf32, #tpu.memory_space<hbm>>) target_semaphore(%run_scoped3A_118 : memref<!tpu.dma_semaphore, #tpu.memory_space<semaphore_mem>>)
        %dma_wait3A_131 = arith.constant 0 : i32
        %dma_wait3A_132 = arith.constant 0 : i32
        %dma_wait3A_133 = tpu.memref_slice %arg6[%run_scoped3A_70, %dma_wait3A_131, %dma_wait3A_132] : memref<2x800x64xf32, #tpu.memory_space<vmem>> -> memref<1x800x64xf32, #tpu.memory_space<vmem>>
        %dma_wait3A_134 = tpu.memref_squeeze %dma_wait3A_133 : memref<1x800x64xf32, #tpu.memory_space<vmem>> -> memref<800x64xf32, #tpu.memory_space<vmem>>
        %dma_wait3A_135 = arith.constant 0 : i32
        %dma_wait3A_136 = tpu.memref_slice %arg4[%add3A_69, %dma_wait3A_135] : memref<819200x64xf32, #tpu.memory_space<hbm>> -> memref<800x64xf32, #tpu.memory_space<hbm>>
        %dma_wait3A_137 = arith.constant 0 : i32
        %dma_wait3A_138 = tpu.memref_slice %arg4[%add3A_69, %dma_wait3A_137] : memref<819200x64xf32, #tpu.memory_space<hbm>> -> memref<800x64xf32, #tpu.memory_space<hbm>>
        %dma_wait3A_139 = arith.constant 0 : i32
        %dma_wait3A_140 = arith.constant 0 : i32
        %dma_wait3A_141 = tpu.memref_slice %arg6[%run_scoped3A_70, %dma_wait3A_139, %dma_wait3A_140] : memref<2x800x64xf32, #tpu.memory_space<vmem>> -> memref<1x800x64xf32, #tpu.memory_space<vmem>>
        %dma_wait3A_142 = tpu.memref_squeeze %dma_wait3A_141 : memref<1x800x64xf32, #tpu.memory_space<vmem>> -> memref<800x64xf32, #tpu.memory_space<vmem>>
        tpu.wait_dma2 semaphore(%run_scoped3A_118 : memref<!tpu.dma_semaphore, #tpu.memory_space<semaphore_mem>>) src(%dma_wait3A_142 : memref<800x64xf32, #tpu.memory_space<vmem>>) dst(%dma_wait3A_138 : memref<800x64xf32, #tpu.memory_space<hbm>>)
        tpu.yield
      }) : () -> ()
      %add3A_71 = arith.constant 0 : i32
      %add3A_72 = arith.addi %mul3A_53, %add3A_71 : i32
      %add3A_73 = arith.constant 2 : i32
      %add3A_74 = arith.addi %add3A_72, %add3A_73 : i32
      %mul3A_75 = arith.constant 800 : i32
      %mul3A_76 = arith.muli %add3A_74, %mul3A_75 : i32
      %dma_start3A_77 = arith.constant 0 : i32
      %dma_start3A_78 = arith.constant 0 : i32
      %dma_start3A_79 = arith.constant 0 : i32
      %dma_start3A_80 = tpu.memref_slice %arg6[%dma_start3A_77, %dma_start3A_78, %dma_start3A_79] : memref<2x800x64xf32, #tpu.memory_space<vmem>> -> memref<1x800x64xf32, #tpu.memory_space<vmem>>
      %dma_start3A_81 = tpu.memref_squeeze %dma_start3A_80 : memref<1x800x64xf32, #tpu.memory_space<vmem>> -> memref<800x64xf32, #tpu.memory_space<vmem>>
      %dma_start3A_82 = tpu.memref_slice %arg5[%mul3A_76] : memref<25600xi32, #tpu.memory_space<vmem>> -> memref<800xi32, #tpu.memory_space<vmem>>
      %dma_start3A_83 = arith.constant 0 : i32
      %dma_start3A_84 = arith.constant 0 : i32
      %dma_start3A_85 = tpu.memref_slice %arg2[%dma_start3A_83, %dma_start3A_84] : memref<1015808x64xf32, #tpu.memory_space<hbm>> -> memref<1015808x64xf32, #tpu.memory_space<hbm>>
      tpu.enqueue_indirect_dma source(%dma_start3A_85 : memref<1015808x64xf32, #tpu.memory_space<hbm>>) target(%dma_start3A_81 : memref<800x64xf32, #tpu.memory_space<vmem>>) offsets(%dma_start3A_82 : memref<800xi32, #tpu.memory_space<vmem>>) semaphore(%arg7 : memref<!tpu.dma_semaphore, #tpu.memory_space<semaphore_mem>>)
      %add3A_86 = arith.constant 1 : i32
      %add3A_87 = arith.addi %mul3A_53, %add3A_86 : i32
      %mul3A_88 = arith.constant 800 : i32
      %mul3A_89 = arith.muli %add3A_87, %mul3A_88 : i32
      %dma_wait3A_90 = arith.constant 1 : i32
      %dma_wait3A_91 = arith.constant 0 : i32
      %dma_wait3A_92 = arith.constant 0 : i32
      %dma_wait3A_93 = tpu.memref_slice %arg6[%dma_wait3A_90, %dma_wait3A_91, %dma_wait3A_92] : memref<2x800x64xf32, #tpu.memory_space<vmem>> -> memref<1x800x64xf32, #tpu.memory_space<vmem>>
      %dma_wait3A_94 = tpu.memref_squeeze %dma_wait3A_93 : memref<1x800x64xf32, #tpu.memory_space<vmem>> -> memref<800x64xf32, #tpu.memory_space<vmem>>
      %dma_wait3A_95 = tpu.memref_slice %arg5[%mul3A_89] : memref<25600xi32, #tpu.memory_space<vmem>> -> memref<800xi32, #tpu.memory_space<vmem>>
      %dma_wait3A_96 = arith.constant 0 : i32
      %dma_wait3A_97 = arith.constant 0 : i32
      %dma_wait3A_98 = tpu.memref_slice %arg2[%dma_wait3A_96, %dma_wait3A_97] : memref<1015808x64xf32, #tpu.memory_space<hbm>> -> memref<1015808x64xf32, #tpu.memory_space<hbm>>
      tpu.wait_indirect_dma semaphore(%arg8 : memref<!tpu.dma_semaphore, #tpu.memory_space<semaphore_mem>>) src(%dma_wait3A_98 : memref<1015808x64xf32, #tpu.memory_space<hbm>>) dst(%dma_wait3A_94 : memref<800x64xf32, #tpu.memory_space<vmem>>)
      %mul3A_99 = arith.constant 800 : i32
      %mul3A_100 = arith.muli %add3A_87, %mul3A_99 : i32
      %add3A_101 = arith.addi %mul3A_2, %mul3A_100 : i32
      %run_scoped3A_102 = arith.constant 1 : i32
      "tpu.region"() ({
        %run_scoped3A_118 = tpu.sem_alloc : memref<!tpu.dma_semaphore, #tpu.memory_space<semaphore_mem>>
        %dma_start3A_119 = arith.constant 0 : i32
        %dma_start3A_120 = arith.constant 0 : i32
        %dma_start3A_121 = tpu.memref_slice %arg6[%run_scoped3A_102, %dma_start3A_119, %dma_start3A_120] : memref<2x800x64xf32, #tpu.memory_space<vmem>> -> memref<1x800x64xf32, #tpu.memory_space<vmem>>
        %dma_start3A_122 = tpu.memref_squeeze %dma_start3A_121 : memref<1x800x64xf32, #tpu.memory_space<vmem>> -> memref<800x64xf32, #tpu.memory_space<vmem>>
        %dma_start3A_123 = arith.constant 0 : i32
        %dma_start3A_124 = tpu.memref_slice %arg4[%add3A_101, %dma_start3A_123] : memref<819200x64xf32, #tpu.memory_space<hbm>> -> memref<800x64xf32, #tpu.memory_space<hbm>>
        %dma_start3A_125 = arith.constant 0 : i32
        %dma_start3A_126 = tpu.memref_slice %arg4[%add3A_101, %dma_start3A_125] : memref<819200x64xf32, #tpu.memory_space<hbm>> -> memref<800x64xf32, #tpu.memory_space<hbm>>
        %dma_start3A_127 = arith.constant 0 : i32
        %dma_start3A_128 = arith.constant 0 : i32
        %dma_start3A_129 = tpu.memref_slice %arg6[%run_scoped3A_102, %dma_start3A_127, %dma_start3A_128] : memref<2x800x64xf32, #tpu.memory_space<vmem>> -> memref<1x800x64xf32, #tpu.memory_space<vmem>>
        %dma_start3A_130 = tpu.memref_squeeze %dma_start3A_129 : memref<1x800x64xf32, #tpu.memory_space<vmem>> -> memref<800x64xf32, #tpu.memory_space<vmem>>
        tpu.enqueue_dma source(%dma_start3A_130 : memref<800x64xf32, #tpu.memory_space<vmem>>) target(%dma_start3A_126 : memref<800x64xf32, #tpu.memory_space<hbm>>) target_semaphore(%run_scoped3A_118 : memref<!tpu.dma_semaphore, #tpu.memory_space<semaphore_mem>>)
        %dma_wait3A_131 = arith.constant 0 : i32
        %dma_wait3A_132 = arith.constant 0 : i32
        %dma_wait3A_133 = tpu.memref_slice %arg6[%run_scoped3A_102, %dma_wait3A_131, %dma_wait3A_132] : memref<2x800x64xf32, #tpu.memory_space<vmem>> -> memref<1x800x64xf32, #tpu.memory_space<vmem>>
        %dma_wait3A_134 = tpu.memref_squeeze %dma_wait3A_133 : memref<1x800x64xf32, #tpu.memory_space<vmem>> -> memref<800x64xf32, #tpu.memory_space<vmem>>
        %dma_wait3A_135 = arith.constant 0 : i32
        %dma_wait3A_136 = tpu.memref_slice %arg4[%add3A_101, %dma_wait3A_135] : memref<819200x64xf32, #tpu.memory_space<hbm>> -> memref<800x64xf32, #tpu.memory_space<hbm>>
        %dma_wait3A_137 = arith.constant 0 : i32
        %dma_wait3A_138 = tpu.memref_slice %arg4[%add3A_101, %dma_wait3A_137] : memref<819200x64xf32, #tpu.memory_space<hbm>> -> memref<800x64xf32, #tpu.memory_space<hbm>>
        %dma_wait3A_139 = arith.constant 0 : i32
        %dma_wait3A_140 = arith.constant 0 : i32
        %dma_wait3A_141 = tpu.memref_slice %arg6[%run_scoped3A_102, %dma_wait3A_139, %dma_wait3A_140] : memref<2x800x64xf32, #tpu.memory_space<vmem>> -> memref<1x800x64xf32, #tpu.memory_space<vmem>>
        %dma_wait3A_142 = tpu.memref_squeeze %dma_wait3A_141 : memref<1x800x64xf32, #tpu.memory_space<vmem>> -> memref<800x64xf32, #tpu.memory_space<vmem>>
        tpu.wait_dma2 semaphore(%run_scoped3A_118 : memref<!tpu.dma_semaphore, #tpu.memory_space<semaphore_mem>>) src(%dma_wait3A_142 : memref<800x64xf32, #tpu.memory_space<vmem>>) dst(%dma_wait3A_138 : memref<800x64xf32, #tpu.memory_space<hbm>>)
        tpu.yield
      }) : () -> ()
      %add3A_103 = arith.constant 1 : i32
      %add3A_104 = arith.addi %mul3A_53, %add3A_103 : i32
      %add3A_105 = arith.constant 2 : i32
      %add3A_106 = arith.addi %add3A_104, %add3A_105 : i32
      %mul3A_107 = arith.constant 800 : i32
      %mul3A_108 = arith.muli %add3A_106, %mul3A_107 : i32
      %dma_start3A_109 = arith.constant 1 : i32
      %dma_start3A_110 = arith.constant 0 : i32
      %dma_start3A_111 = arith.constant 0 : i32
      %dma_start3A_112 = tpu.memref_slice %arg6[%dma_start3A_109, %dma_start3A_110, %dma_start3A_111] : memref<2x800x64xf32, #tpu.memory_space<vmem>> -> memref<1x800x64xf32, #tpu.memory_space<vmem>>
      %dma_start3A_113 = tpu.memref_squeeze %dma_start3A_112 : memref<1x800x64xf32, #tpu.memory_space<vmem>> -> memref<800x64xf32, #tpu.memory_space<vmem>>
      %dma_start3A_114 = tpu.memref_slice %arg5[%mul3A_108] : memref<25600xi32, #tpu.memory_space<vmem>> -> memref<800xi32, #tpu.memory_space<vmem>>
      %dma_start3A_115 = arith.constant 0 : i32
      %dma_start3A_116 = arith.constant 0 : i32
      %dma_start3A_117 = tpu.memref_slice %arg2[%dma_start3A_115, %dma_start3A_116] : memref<1015808x64xf32, #tpu.memory_space<hbm>> -> memref<1015808x64xf32, #tpu.memory_space<hbm>>
      tpu.enqueue_indirect_dma source(%dma_start3A_117 : memref<1015808x64xf32, #tpu.memory_space<hbm>>) target(%dma_start3A_113 : memref<800x64xf32, #tpu.memory_space<vmem>>) offsets(%dma_start3A_114 : memref<800xi32, #tpu.memory_space<vmem>>) semaphore(%arg8 : memref<!tpu.dma_semaphore, #tpu.memory_space<semaphore_mem>>)
    }
    %scan3A_26 = arith.constant 15 : i32
    %dma_wait3A = arith.constant 0 : i32
    %dma_wait3A_27 = arith.constant 0 : i32
    %dma_wait3A_28 = arith.constant 0 : i32
    %dma_wait3A_29 = tpu.memref_slice %arg6[%dma_wait3A, %dma_wait3A_27, %dma_wait3A_28] : memref<2x800x64xf32, #tpu.memory_space<vmem>> -> memref<1x800x64xf32, #tpu.memory_space<vmem>>
    %dma_wait3A_30 = tpu.memref_squeeze %dma_wait3A_29 : memref<1x800x64xf32, #tpu.memory_space<vmem>> -> memref<800x64xf32, #tpu.memory_space<vmem>>
    %dma_wait3A_31 = arith.constant 24000 : i32
    %dma_wait3A_32 = tpu.memref_slice %arg5[%dma_wait3A_31] : memref<25600xi32, #tpu.memory_space<vmem>> -> memref<800xi32, #tpu.memory_space<vmem>>
    %dma_wait3A_33 = arith.constant 0 : i32
    %dma_wait3A_34 = arith.constant 0 : i32
    %dma_wait3A_35 = tpu.memref_slice %arg2[%dma_wait3A_33, %dma_wait3A_34] : memref<1015808x64xf32, #tpu.memory_space<hbm>> -> memref<1015808x64xf32, #tpu.memory_space<hbm>>
    tpu.wait_indirect_dma semaphore(%arg7 : memref<!tpu.dma_semaphore, #tpu.memory_space<semaphore_mem>>) src(%dma_wait3A_35 : memref<1015808x64xf32, #tpu.memory_space<hbm>>) dst(%dma_wait3A_30 : memref<800x64xf32, #tpu.memory_space<vmem>>)
    %add3A_36 = arith.constant 24000 : i32
    %add3A_37 = arith.addi %mul3A_2, %add3A_36 : i32
    %run_scoped3A = arith.constant 0 : i32
    "tpu.region"() ({
      %run_scoped3A_51 = tpu.sem_alloc : memref<!tpu.dma_semaphore, #tpu.memory_space<semaphore_mem>>
      %dma_start3A_52 = arith.constant 0 : i32
      %dma_start3A_53 = arith.constant 0 : i32
      %dma_start3A_54 = tpu.memref_slice %arg6[%run_scoped3A, %dma_start3A_52, %dma_start3A_53] : memref<2x800x64xf32, #tpu.memory_space<vmem>> -> memref<1x800x64xf32, #tpu.memory_space<vmem>>
      %dma_start3A_55 = tpu.memref_squeeze %dma_start3A_54 : memref<1x800x64xf32, #tpu.memory_space<vmem>> -> memref<800x64xf32, #tpu.memory_space<vmem>>
      %dma_start3A_56 = arith.constant 0 : i32
      %dma_start3A_57 = tpu.memref_slice %arg4[%add3A_37, %dma_start3A_56] : memref<819200x64xf32, #tpu.memory_space<hbm>> -> memref<800x64xf32, #tpu.memory_space<hbm>>
      %dma_start3A_58 = arith.constant 0 : i32
      %dma_start3A_59 = tpu.memref_slice %arg4[%add3A_37, %dma_start3A_58] : memref<819200x64xf32, #tpu.memory_space<hbm>> -> memref<800x64xf32, #tpu.memory_space<hbm>>
      %dma_start3A_60 = arith.constant 0 : i32
      %dma_start3A_61 = arith.constant 0 : i32
      %dma_start3A_62 = tpu.memref_slice %arg6[%run_scoped3A, %dma_start3A_60, %dma_start3A_61] : memref<2x800x64xf32, #tpu.memory_space<vmem>> -> memref<1x800x64xf32, #tpu.memory_space<vmem>>
      %dma_start3A_63 = tpu.memref_squeeze %dma_start3A_62 : memref<1x800x64xf32, #tpu.memory_space<vmem>> -> memref<800x64xf32, #tpu.memory_space<vmem>>
      tpu.enqueue_dma source(%dma_start3A_63 : memref<800x64xf32, #tpu.memory_space<vmem>>) target(%dma_start3A_59 : memref<800x64xf32, #tpu.memory_space<hbm>>) target_semaphore(%run_scoped3A_51 : memref<!tpu.dma_semaphore, #tpu.memory_space<semaphore_mem>>)
      %dma_wait3A_64 = arith.constant 0 : i32
      %dma_wait3A_65 = arith.constant 0 : i32
      %dma_wait3A_66 = tpu.memref_slice %arg6[%run_scoped3A, %dma_wait3A_64, %dma_wait3A_65] : memref<2x800x64xf32, #tpu.memory_space<vmem>> -> memref<1x800x64xf32, #tpu.memory_space<vmem>>
      %dma_wait3A_67 = tpu.memref_squeeze %dma_wait3A_66 : memref<1x800x64xf32, #tpu.memory_space<vmem>> -> memref<800x64xf32, #tpu.memory_space<vmem>>
      %dma_wait3A_68 = arith.constant 0 : i32
      %dma_wait3A_69 = tpu.memref_slice %arg4[%add3A_37, %dma_wait3A_68] : memref<819200x64xf32, #tpu.memory_space<hbm>> -> memref<800x64xf32, #tpu.memory_space<hbm>>
      %dma_wait3A_70 = arith.constant 0 : i32
      %dma_wait3A_71 = tpu.memref_slice %arg4[%add3A_37, %dma_wait3A_70] : memref<819200x64xf32, #tpu.memory_space<hbm>> -> memref<800x64xf32, #tpu.memory_space<hbm>>
      %dma_wait3A_72 = arith.constant 0 : i32
      %dma_wait3A_73 = arith.constant 0 : i32
      %dma_wait3A_74 = tpu.memref_slice %arg6[%run_scoped3A, %dma_wait3A_72, %dma_wait3A_73] : memref<2x800x64xf32, #tpu.memory_space<vmem>> -> memref<1x800x64xf32, #tpu.memory_space<vmem>>
      %dma_wait3A_75 = tpu.memref_squeeze %dma_wait3A_74 : memref<1x800x64xf32, #tpu.memory_space<vmem>> -> memref<800x64xf32, #tpu.memory_space<vmem>>
      tpu.wait_dma2 semaphore(%run_scoped3A_51 : memref<!tpu.dma_semaphore, #tpu.memory_space<semaphore_mem>>) src(%dma_wait3A_75 : memref<800x64xf32, #tpu.memory_space<vmem>>) dst(%dma_wait3A_71 : memref<800x64xf32, #tpu.memory_space<hbm>>)
      tpu.yield
    }) : () -> ()
    %dma_wait3A_38 = arith.constant 1 : i32
    %dma_wait3A_39 = arith.constant 0 : i32
    %dma_wait3A_40 = arith.constant 0 : i32
    %dma_wait3A_41 = tpu.memref_slice %arg6[%dma_wait3A_38, %dma_wait3A_39, %dma_wait3A_40] : memref<2x800x64xf32, #tpu.memory_space<vmem>> -> memref<1x800x64xf32, #tpu.memory_space<vmem>>
    %dma_wait3A_42 = tpu.memref_squeeze %dma_wait3A_41 : memref<1x800x64xf32, #tpu.memory_space<vmem>> -> memref<800x64xf32, #tpu.memory_space<vmem>>
    %dma_wait3A_43 = arith.constant 24800 : i32
    %dma_wait3A_44 = tpu.memref_slice %arg5[%dma_wait3A_43] : memref<25600xi32, #tpu.memory_space<vmem>> -> memref<800xi32, #tpu.memory_space<vmem>>
    %dma_wait3A_45 = arith.constant 0 : i32
    %dma_wait3A_46 = arith.constant 0 : i32
    %dma_wait3A_47 = tpu.memref_slice %arg2[%dma_wait3A_45, %dma_wait3A_46] : memref<1015808x64xf32, #tpu.memory_space<hbm>> -> memref<1015808x64xf32, #tpu.memory_space<hbm>>
    tpu.wait_indirect_dma semaphore(%arg8 : memref<!tpu.dma_semaphore, #tpu.memory_space<semaphore_mem>>) src(%dma_wait3A_47 : memref<1015808x64xf32, #tpu.memory_space<hbm>>) dst(%dma_wait3A_42 : memref<800x64xf32, #tpu.memory_space<vmem>>)
    %add3A_48 = arith.constant 24800 : i32
    %add3A_49 = arith.addi %mul3A_2, %add3A_48 : i32
    %run_scoped3A_50 = arith.constant 1 : i32
    "tpu.region"() ({
      %run_scoped3A_51 = tpu.sem_alloc : memref<!tpu.dma_semaphore, #tpu.memory_space<semaphore_mem>>
      %dma_start3A_52 = arith.constant 0 : i32
      %dma_start3A_53 = arith.constant 0 : i32
      %dma_start3A_54 = tpu.memref_slice %arg6[%run_scoped3A_50, %dma_start3A_52, %dma_start3A_53] : memref<2x800x64xf32, #tpu.memory_space<vmem>> -> memref<1x800x64xf32, #tpu.memory_space<vmem>>
      %dma_start3A_55 = tpu.memref_squeeze %dma_start3A_54 : memref<1x800x64xf32, #tpu.memory_space<vmem>> -> memref<800x64xf32, #tpu.memory_space<vmem>>
      %dma_start3A_56 = arith.constant 0 : i32
      %dma_start3A_57 = tpu.memref_slice %arg4[%add3A_49, %dma_start3A_56] : memref<819200x64xf32, #tpu.memory_space<hbm>> -> memref<800x64xf32, #tpu.memory_space<hbm>>
      %dma_start3A_58 = arith.constant 0 : i32
      %dma_start3A_59 = tpu.memref_slice %arg4[%add3A_49, %dma_start3A_58] : memref<819200x64xf32, #tpu.memory_space<hbm>> -> memref<800x64xf32, #tpu.memory_space<hbm>>
      %dma_start3A_60 = arith.constant 0 : i32
      %dma_start3A_61 = arith.constant 0 : i32
      %dma_start3A_62 = tpu.memref_slice %arg6[%run_scoped3A_50, %dma_start3A_60, %dma_start3A_61] : memref<2x800x64xf32, #tpu.memory_space<vmem>> -> memref<1x800x64xf32, #tpu.memory_space<vmem>>
      %dma_start3A_63 = tpu.memref_squeeze %dma_start3A_62 : memref<1x800x64xf32, #tpu.memory_space<vmem>> -> memref<800x64xf32, #tpu.memory_space<vmem>>
      tpu.enqueue_dma source(%dma_start3A_63 : memref<800x64xf32, #tpu.memory_space<vmem>>) target(%dma_start3A_59 : memref<800x64xf32, #tpu.memory_space<hbm>>) target_semaphore(%run_scoped3A_51 : memref<!tpu.dma_semaphore, #tpu.memory_space<semaphore_mem>>)
      %dma_wait3A_64 = arith.constant 0 : i32
      %dma_wait3A_65 = arith.constant 0 : i32
      %dma_wait3A_66 = tpu.memref_slice %arg6[%run_scoped3A_50, %dma_wait3A_64, %dma_wait3A_65] : memref<2x800x64xf32, #tpu.memory_space<vmem>> -> memref<1x800x64xf32, #tpu.memory_space<vmem>>
      %dma_wait3A_67 = tpu.memref_squeeze %dma_wait3A_66 : memref<1x800x64xf32, #tpu.memory_space<vmem>> -> memref<800x64xf32, #tpu.memory_space<vmem>>
      %dma_wait3A_68 = arith.constant 0 : i32
      %dma_wait3A_69 = tpu.memref_slice %arg4[%add3A_49, %dma_wait3A_68] : memref<819200x64xf32, #tpu.memory_space<hbm>> -> memref<800x64xf32, #tpu.memory_space<hbm>>
      %dma_wait3A_70 = arith.constant 0 : i32
      %dma_wait3A_71 = tpu.memref_slice %arg4[%add3A_49, %dma_wait3A_70] : memref<819200x64xf32, #tpu.memory_space<hbm>> -> memref<800x64xf32, #tpu.memory_space<hbm>>
      %dma_wait3A_72 = arith.constant 0 : i32
      %dma_wait3A_73 = arith.constant 0 : i32
      %dma_wait3A_74 = tpu.memref_slice %arg6[%run_scoped3A_50, %dma_wait3A_72, %dma_wait3A_73] : memref<2x800x64xf32, #tpu.memory_space<vmem>> -> memref<1x800x64xf32, #tpu.memory_space<vmem>>
      %dma_wait3A_75 = tpu.memref_squeeze %dma_wait3A_74 : memref<1x800x64xf32, #tpu.memory_space<vmem>> -> memref<800x64xf32, #tpu.memory_space<vmem>>
      tpu.wait_dma2 semaphore(%run_scoped3A_51 : memref<!tpu.dma_semaphore, #tpu.memory_space<semaphore_mem>>) src(%dma_wait3A_75 : memref<800x64xf32, #tpu.memory_space<vmem>>) dst(%dma_wait3A_71 : memref<800x64xf32, #tpu.memory_space<hbm>>)
      tpu.yield
    }) : () -> ()
    return
  }
}

module attributes {stable_mosaic.version = 14 : i64} {
  func.func @_transpose_body(%arg0: i32, %arg1: memref<64x16384xf32, #tpu.memory_space<vmem>>, %arg2: memref<8192x128xf32, #tpu.memory_space<vmem>>) attributes {dimension_semantics = [#tpu.dimension_semantics<arbitrary>], iteration_bounds = array<i64: 62>, scalar_prefetch = 0 : i64, scratch_operands = 0 : i64, tpu.core_type = #tpu.core_type<tc>, window_params = [{transform_indices = @transform_0, window_bounds = array<i64: 64, 16384>}, {transform_indices = @transform_1, window_bounds = array<i64: 8192, 128>}]} {
    %get3A = arith.constant 0 : index
    %get3A_0 = arith.constant 0 : index
    %get3A_1 = vector.load %arg1[%get3A, %get3A_0] : memref<64x16384xf32, #tpu.memory_space<vmem>>, vector<64x16384xf32>
    %transpose3A = tpu.transpose %get3A_1, [1, 0] : vector<64x16384xf32> -> vector<16384x64xf32>
    %slice3A = vector.extract_strided_slice %transpose3A {offsets = [0, 0], sizes = [8192, 64], strides = [1, 1]} : vector<16384x64xf32> to vector<8192x64xf32>
    %swap3A = arith.constant 0 : index
    %swap3A_2 = arith.constant 0 : index
    %swap3A_3 = vector.load %arg2[%swap3A, %swap3A_2] : memref<8192x128xf32, #tpu.memory_space<vmem>>, vector<8192x64xf32>
    tpu.vector_store %arg2[%swap3A, %swap3A_2], %slice3A {strides = array<i32>} : memref<8192x128xf32, #tpu.memory_space<vmem>>, vector<8192x64xf32>,
    %slice3A_4 = vector.extract_strided_slice %transpose3A {offsets = [8192, 0], sizes = [8192, 64], strides = [1, 1]} : vector<16384x64xf32> to vector<8192x64xf32>
    %swap3A_5 = arith.constant 0 : index
    %swap3A_6 = arith.constant 64 : index
    %swap3A_7 = vector.load %arg2[%swap3A_5, %swap3A_6] : memref<8192x128xf32, #tpu.memory_space<vmem>>, vector<8192x64xf32>
    tpu.vector_store %arg2[%swap3A_5, %swap3A_6], %slice3A_4 {strides = array<i32>} : memref<8192x128xf32, #tpu.memory_space<vmem>>, vector<8192x64xf32>,
    return
  }
  func.func @transform_0(%arg0: i32) -> (i32, i32) {
    %c0_i32 = arith.constant 0 : i32
    %c0_i32_0 = arith.constant 0 : i32
    return %c0_i32, %arg0 : i32, i32
  }
  func.func @transform_1(%arg0: i32) -> (i32, i32) {
    %c0_i32 = arith.constant 0 : i32
    %c0_i32_0 = arith.constant 0 : i32
    return %arg0, %c0_i32 : i32, i32
  }
}

module attributes {stable_mosaic.version = 14 : i64} {
  func.func @_format_body(%arg0: i32, %arg1: memref<2048x128xf32, #tpu.memory_space<vmem>>, %arg2: memref<64x4096xf32, #tpu.memory_space<vmem>>) attributes {dimension_semantics = [#tpu.dimension_semantics<arbitrary>], iteration_bounds = array<i64: 200>, scalar_prefetch = 0 : i64, scratch_operands = 0 : i64, tpu.core_type = #tpu.core_type<tc>, window_params = [{transform_indices = @transform_0, window_bounds = array<i64: 2048, 128>}, {transform_indices = @transform_1, window_bounds = array<i64: 64, 4096>}]} {
    %get3A = arith.constant 0 : index
    %get3A_0 = arith.constant 0 : index
    %get3A_1 = vector.load %arg1[%get3A, %get3A_0] : memref<2048x128xf32, #tpu.memory_space<vmem>>, vector<2048x128xf32>
    %transpose3A = tpu.transpose %get3A_1, [1, 0] : vector<2048x128xf32> -> vector<128x2048xf32>
    %slice3A = vector.extract_strided_slice %transpose3A {offsets = [0, 0], sizes = [64, 2048], strides = [1, 1]} : vector<128x2048xf32> to vector<64x2048xf32>
    %swap3A = arith.constant 0 : index
    %swap3A_2 = arith.constant 0 : index
    %swap3A_3 = vector.load %arg2[%swap3A, %swap3A_2] : memref<64x4096xf32, #tpu.memory_space<vmem>>, vector<64x2048xf32>
    tpu.vector_store %arg2[%swap3A, %swap3A_2], %slice3A {strides = array<i32>} : memref<64x4096xf32, #tpu.memory_space<vmem>>, vector<64x2048xf32>,
    %slice3A_4 = vector.extract_strided_slice %transpose3A {offsets = [64, 0], sizes = [64, 2048], strides = [1, 1]} : vector<128x2048xf32> to vector<64x2048xf32>
    %swap3A_5 = arith.constant 0 : index
    %swap3A_6 = arith.constant 2048 : index
    %swap3A_7 = vector.load %arg2[%swap3A_5, %swap3A_6] : memref<64x4096xf32, #tpu.memory_space<vmem>>, vector<64x2048xf32>
    tpu.vector_store %arg2[%swap3A_5, %swap3A_6], %slice3A_4 {strides = array<i32>} : memref<64x4096xf32, #tpu.memory_space<vmem>>, vector<64x2048xf32>,
    return
  }
  func.func @transform_0(%arg0: i32) -> (i32, i32) {
    %c0_i32 = arith.constant 0 : i32
    %c0_i32_0 = arith.constant 0 : i32
    return %arg0, %c0_i32 : i32, i32
  }
  func.func @transform_1(%arg0: i32) -> (i32, i32) {
    %c0_i32 = arith.constant 0 : i32
    %c0_i32_0 = arith.constant 0 : i32
    return %arg0, %c0_i32 : i32, i32
  }
}

</mosaic_0001>

<sc_bundles>
// kernel: kernel.5.cloned.1.call-start
scs
__scs_entry_jumppad:
0x0: {  	(pc) =	sbr.rel $0x88, $3  }
0x1: {  	(tag) =	ssettag $0x0;
	lr =	simm.s32 $0x1  }
0x2: {  	[smem:$0x3F9F] =	sst lr;
	_ =	strace $0xD0000000  }
0x3: {  	_ = 	snop  }
0x4: {  	_ = 	snop  }
0x5: {  	_ = 	snop  }
0x6: {  	_ = 	snop  }
0x7: {  	_ = 	snop  }
__scs_overlays_trampoline_lowered:
0x8: {  	[smem:$0x3FAE] =	sst s0  }
0x9: {  	[smem:$0x3FAF] =	sst s1  }
0xa: {  	[smem:$0x3FB0] =	sst s2  }
0xb: {  	[smem:$0x3FB1] =	sst s3  }
0xc: {  	[smem:$0x3FB2] =	sst s4  }
0xd: {  	[smem:$0x3FB3] =	sst s5  }
0xe: {  	[smem:$0x3FB4] =	sst s6  }
0xf: {  	[smem:$0x3FB5] =	sst s7  }
0x10: {  	[smem:$0x3FB6] =	sst s8  }
0x11: {  	[smem:$0x3FB7] =	sst s9;
	s0 =	simm.s32 @!p0 $0x0  }
0x12: {  	s1 =	sld [smem:$0x3F9D];
	s0 =	simm.s32 @p0 $0x1  }
0x13: {  	[smem:$0x3FB8] =	sst s0;
	s0 =	simm.s32 @!p1 $0x0  }
0x14: {  	s2 =	sld [smem:$0x3F9C];
	s0 =	simm.s32 @p1 $0x1  }
0x15: {  	[smem:$0x3FB9] =	sst s0;
	s0 =	simm.s32 @!p2 $0x0  }
0x16: {  	s3 =	sld [smem:$0x3FDB];
	s0 =	simm.s32 @p2 $0x1  }
0x17: {  	s4 =	simm.s32 $0x1BF5;
	[smem:$0x3FBB] =	sst s0  }
0x18: {  	s0 =	sld [smem:$0x3F9E];
	_ =	swait.ge [sflag:s4], $0x0  }
0x19: {  	s7 =	sld [smem:$0x3F9F]  }
0x1a: {  	s8 =	sadd.s32 $0xFFFFE003, lr  }
0x1b: {  	s9 =	sadd.s32 $0xFFFFFEF7, lr;
	s5 =	simm.s32 $0xFFFFFFFF;
	p2 =	slt.u32 s8, $0xFFFFF086  }
0x1c: {  	p1 =	slt.u32 s9, $0xF7A;
	s5 =	simm.s32 @!p2 $0x0  }
0x1d: {  	s5 =	simm.s32 @p1 $0x1;
	p0 =	seq.s32 s7, s2  }
0x1e: {  	s7 =	smul.u32 @!p0 $0xF7A, s2;
	p2 =	seq.s32 @!p0 s5, $0x0  }
0x1f: {  	s9 =	smul.u32 $0xF7A, s1;
	s8 =	simm.s32 @!p0 $0x1BF5;
	p2 =	por !p2, p0  }
0x20: {  	[sflag:s8] =	ssyncset.s32 @!p0 $0xFFFFF086;
	s6 =	sadd.s32 @!p0 s3, s7;
	s7 =	simm.s32 @!p0 $0x108  }
0x21: {  	s3 =	sadd.s32 s3, s9;
	s6 =	sadd.s32 @!p0 $0x88, s6;
	s7 =	simm.s32 @p2 $0x1082  }
0x22: {  	[simem:s7], [sflag:s8] =	dma.local @!p0 [hbm:s6], $0xF7A  }
0x23: {  	s9 =	sor.u32 $0xD0000000, s2;
	s6 =	simm.s32 $0x108;
	_ =	swait.ge @!p0 [sflag:s8], $0x0  }
0x24: {  	s3 =	sadd.s32 $0x88, s3;
	s6 =	simm.s32 @!p1 $0x1082;
	[sflag:s4] =	ssyncset.s32 $0xFFFFF086  }
0x25: {  	[simem:s6], [sflag:s4] =	dma.local [hbm:s3], $0xF7A  }
0x26: {  	[smem:$0x3F9F] =	sst s1;
	(tag) =	ssettag s2;
	_ =	strace s9  }
0x27: {  	s1 =	sld [smem:$0x3FAF]  }
0x28: {  	s2 =	sld [smem:$0x3FB0]  }
0x29: {  	s4 =	sld [smem:$0x3FB2]  }
0x2a: {  	p0 =	seq.s32 s5, $0x0;
	s5 =	sld [smem:$0x3FB3]  }
0x2b: {  	s6 =	sld [smem:$0x3FB4]  }
0x2c: {  	s7 =	sld [smem:$0x3FB5]  }
0x2d: {  	s3 =	simm.s32 $0x108;
	s8 =	sld [smem:$0x3FB6]  }
0x2e: {  	s3 =	simm.s32 @!p0 $0x1082;
	s9 =	sld [smem:$0x3FB7]  }
0x2f: {  	lr =	sadd.s32 s0, s3;
	s0 =	sld [smem:$0x3FAE]  }
0x30: {  	s3 =	sld [smem:$0x3FB1]  }
0x31: {  	[smem:$0x3FBA] =	sst s10  }
0x32: {  	s10 =	sld [smem:$0x3FB8];
	_ =	sdelay $0x3  }
0x33: {  	p0 =	seq.s32 s10, $0x1;
	s10 =	sld [smem:$0x3FBA];
	_ =	sdelay $0x3  }
0x34: {  	[smem:$0x3FBA] =	sst s10  }
0x35: {  	s10 =	sld [smem:$0x3FB9];
	_ =	sdelay $0x3  }
0x36: {  	p1 =	seq.s32 s10, $0x1;
	s10 =	sld [smem:$0x3FBA];
	_ =	sdelay $0x3  }
0x37: {  	[smem:$0x3FBA] =	sst s10  }
0x38: {  	s10 =	sld [smem:$0x3FBB]  }
0x39: {  	_ = 	snop;
	(pc) =	sbr.ind lr, $3  }
0x3a: {  	_ = 	snop  }
0x3b: {  	_ = 	snop  }
0x3c: {  	p2 =	seq.s32 s10, $0x1;
	s10 =	sld [smem:$0x3FBA]  }
0x3d: {  	_ =	shalt  }
0x3e: {  	_ =	shalt  }
0x3f: {  	_ =	shalt  }
0x40: {  	_ =	shalt  }
0x41: {  	_ =	shalt  }
0x42: {  	_ =	shalt  }
0x43: {  	_ =	shalt  }
0x44: {  	_ =	shalt  }
0x45: {  	_ =	shalt  }
0x46: {  	_ =	shalt  }
0x47: {  	_ =	shalt  }
0x48: {  	_ =	shalt  }
0x49: {  	_ =	shalt  }
0x4a: {  	_ =	shalt  }
0x4b: {  	_ =	shalt  }
0x4c: {  	_ =	shalt  }
0x4d: {  	_ =	shalt  }
0x4e: {  	_ =	shalt  }
0x4f: {  	_ =	shalt  }
0x50: {  	_ =	shalt  }
0x51: {  	_ =	shalt  }
0x52: {  	_ =	shalt  }
0x53: {  	_ =	shalt  }
0x54: {  	_ =	shalt  }
0x55: {  	_ =	shalt  }
0x56: {  	_ =	shalt  }
0x57: {  	_ =	shalt  }
0x58: {  	_ =	shalt  }
0x59: {  	_ =	shalt  }
0x5a: {  	_ =	shalt  }
0x5b: {  	_ =	shalt  }
0x5c: {  	_ =	shalt  }
0x5d: {  	_ =	shalt  }
0x5e: {  	_ =	shalt  }
0x5f: {  	_ =	shalt  }
0x60: {  	_ =	shalt  }
0x61: {  	_ =	shalt  }
0x62: {  	_ =	shalt  }
0x63: {  	_ =	shalt  }
0x64: {  	_ =	shalt  }
0x65: {  	_ =	shalt  }
0x66: {  	_ =	shalt  }
0x67: {  	_ =	shalt  }
0x68: {  	_ =	shalt  }
0x69: {  	_ =	shalt  }
0x6a: {  	_ =	shalt  }
0x6b: {  	_ =	shalt  }
0x6c: {  	_ =	shalt  }
0x6d: {  	_ =	shalt  }
0x6e: {  	_ =	shalt  }
0x6f: {  	_ =	shalt  }
0x70: {  	_ =	shalt  }
0x71: {  	_ =	shalt  }
0x72: {  	_ =	shalt  }
0x73: {  	_ =	shalt  }
0x74: {  	_ =	shalt  }
0x75: {  	_ =	shalt  }
0x76: {  	_ =	shalt  }
0x77: {  	_ =	shalt  }
0x78: {  	_ =	shalt  }
0x79: {  	_ =	shalt  }
0x7a: {  	_ =	shalt  }
0x7b: {  	_ =	shalt  }
0x7c: {  	_ =	shalt  }
0x7d: {  	_ =	shalt  }
0x7e: {  	_ =	shalt  }
0x7f: {  	_ =	shalt  }
0x80: {  	_ =	shalt  }
0x81: {  	_ =	shalt  }
0x82: {  	_ =	shalt  }
0x83: {  	_ =	shalt  }
0x84: {  	_ =	shalt  }
0x85: {  	_ =	shalt  }
0x86: {  	_ =	shalt  }
0x87: {  	_ =	shalt  }
.Lfunc_end0:
.L_simem_size_0:
called_computation_lowered:
.L_overlay_start_0:
0x88: {  	s2 =	sld [smem:$0x3FD9]  }
0x89: {  	s3 =	sld [smem:$0x3FFE];
	_ =	sdelay $0x1  }
0x8a: {  	s1 =	srdreg.scid  }
0x8b: {  	s0 =	sand.u32 $0x1, s1  }
0x8c: {  	s16 =	sshll.u32 s0, $0xA;
	s2 =	sadd.s32 s3, s2  }
0x8d: {  	s2 =	sadd.s32 s2, s16  }
0x8e: {  	[smem:$0x3FC6] =	sst s2  }
0x8f: {  	_ = 	snop  }
0x90: {  	(tm) =	ssettm $0x1  }
0x91: {  	s17 =	sld [smem:$0x3FFB];
	_ =	sdelay $0x3  }
0x92: {  	_ =	strace s17  }
0x93: {  	s2 =	sld [smem:$0x3FFC];
	_ =	sdelay $0x3  }
0x94: {  	_ =	strace s2  }
0x95: {  	s2 =	sld [smem:$0x3FFD];
	_ =	sdelay $0x3  }
0x96: {  	_ =	strace s2  }
0x97: {  	_ =	strace $0x8FFFFFFF  }
0x98: {  	s18 =	sld [smem:$0x3FDB];
	_ =	sdelay $0x1  }
0x99: {  	s19 =	simm.s32 $_scs_section_size  }
0x9a: {  	s4 =	simm.s32 $_size__tile_overlayer_lowered;
	s5 =	simm.s32 $_tile_overlayer_lowered  }
0x9b: {  	s22 =	simm.s32 $0x1BFF;
	s21 =	sshll.u32 s5, $0x1;
	s2 =	sadd.s32 s19, s18  }
0x9c: {  	s6 =	simm.s32 $0x0;
	s20 =	sshll.u32 s4, $0x1;
	s4 =	sadd.s32 s21, s2  }
0x9d: {  	[timem:s6], [sflag:s22] =	dma.local [hbm:s4], s20  }
0x9e: {  	_ =	swait.ge [sflag:s22], s20  }
0x9f: {  	s3 =	ssub.s32 $0x0, s20;
	[sflag:s22] =	ssyncset.done $0x0  }
0xa0: {  	[sflag:s22] =	ssyncadd.s32 s3;
	_ =	sdelay $0x1  }
0xa1: {  	s23 =	simm.s32 $0x1B8B  }
0xa2: {  	_ =	swait.ge [sflag:s23], $0x1  }
0xa3: {  	[sflag:s23] =	ssyncset.done $0x0  }
0xa4: {  	s25 =	simm.s32 $0x1B8E;
	s24 =	sld [smem:$0x3FFE];
	[sflag:s23] =	ssyncadd.s32 $0xFFFFFFFF  }
0xa5: {  	s26 =	simm.s32 $execute0_lowered;
	[smem:$0x3FD2] =	sst s25  }
0xa6: {  	s4 =	sshll.u32 s26, $0x1;
	_ =	strace $0x80000046;
	[dreg:$0x1] =	wrdreg $0xFFFFFFFF  }
0xa7: {  	s28 =	simm.s32 $_size_execute0_lowered;
	s2 =	sadd.s32 s2, s4;
	[dreg:$0x0] =	wrdreg $0x0  }
0xa8: {  	s4 =	sshll.u32 s28, $0x1;
	[dreg:$0x2] =	wrdreg s2  }
0xa9: {  	[dreg:$0x3] =	wrdreg s4  }
0xaa: {  	[dreg:$0x4] =	wrdreg $0xC0  }
0xab: {  	_ =	task [dreg:s6], $0x5FFFF  }
0xac: {  	[dreg:$0x1] =	wrdreg $0xFFFFFFFF  }
0xad: {  	[dreg:$0x0] =	wrdreg $0x60  }
0xae: {  	[dreg:$0x2] =	wrdreg s24  }
0xaf: {  	[dreg:$0x3] =	wrdreg $0x9  }
0xb0: {  	_ =	task.clear_ibuf [dreg:s6], $0x4FFFF;
	_ =	strace $0x90000046  }
0xb1: {  	s29 =	simm.s32 $0x9;
	_ =	strace $0x80000048  }
0xb2: {  	_ =	swait.ge [sflag:s29], $0x1  }
0xb3: {  	[sflag:s29] =	ssyncadd.s32 $0xFFFFFFFF  }
0xb4: {  	_ =	strace $0x90000048  }
0xb5: {  	_ =	sfence  }
0xb6: {  	s30 =	sld [smem:$0x0];
	_ =	sdelay $0x2  }
0xb7: {  	s31 =	sshll.u32 s1, $0xD;
	s1 =	sshrl.u32 s1, $0x2  }
0xb8: {  	s3 =	sand.u32 $0x4000, s31;
	s1 =	sadd.s32 s1, s30  }
0xb9: {  	s0 =	sor.u32 s3, s0;
	s1 =	sshll.u32 s1, $0x11  }
0xba: {  	s0 =	sor.u32 s1, s0  }
0xbb: {  	s0 =	sadd.s32 $0x8F2B, s0  }
0xbc: {  	[sflag:s0] =	ssyncadd.remote.s32 $0x1  }
0xbd: {  	_ =	sfence.sel $0xFFFF  }
0xbe: {  	[dreg:$0x0] =	wrdreg $0xFFFFFFFF;
	(pc) =	sbr.abs _section_cstart, $3  }
0xbf: {  	[dreg:$0x1] =	wrdreg $0xFFFFFFFF  }
0xc0: {  	_ =	task.clear_ibuf [dreg:s6], $0x2FFFF;
	_ =	strace $0x9FFFFFFF  }
0xc1: {  	(tm) =	ssettm $0x7FFFFFFF  }
tec
execute0_lowered:
.L_overlay_start_1:
0x0: {  	(tag) =	ssettag $0x1  }
0x1: {  	s1 =	srdreg.scid  }
0x2: {  	s0 =	stileid.u32;
	s4 =	rddreg [dreg:$0x0]  }
0x3: {  	s2 =	simm.s32 $0x0;
	s13 =	simm.s32 $0x12C00;
	s14 =	simm.s32 $0x1  }
0x4: {  	s15 =	simm.s32 $0x2;
	s16 =	simm.s32 $0x0;
	s9 =	smul.u32 $0xC800, s0  }
0x5: {  	s7 =	sand.u32 $0x1, s1;
	s1 =	rddreg [dreg:$0x1];
	s30 =	smul.u32 $0x64000, s0  }
0x6: {  	s26 =	sshll.u32 s0, $0x1;
	[smem:$0x7FF] =	sst s2;
	s11 =	smul.u32 $0x6400, s7  }
0x7: {  	s8 =	sadd.s32 $0x7D9400, s4;
	s5 =	sor.u32 s7, s26;
	s12 =	smul.u32 $0x32000, s7  }
0x8: {  	_ =	strace $0x80000047;
	s28 =	ssub.s32 $0x2, s7;
	s3 =	smul.u32 $0x6400, s5  }
0x9: {  	s5 =	smul.u32 $0x190000, s5;
	s10 =	sshrl.u32 s28, $0x1;
	s31 =	sadd.s32 s30, s8  }
0xa: {  	s10 =	ssub.s32 s28, s10;
	s9 =	sadd.s32 s11, s9;
	s11 =	simm.s32 $0x320  }
0xb: {  	s6 =	sshrl.u32 s3, $0x3;
	s3 =	sadd.s32 $0x19400, s4;
	s5 =	sshrl.u32 s5, $0x3  }
0xc: {  	s9 =	sshll.u32 s9, $0x3;
	s7 =	smax.u32 s10, $0x1;
	s10 =	simm.s32 $0x3  }
0xd: {  	s6 =	sadd.s32 s6, s4;
	s29 =	sadd.s32 s8, s5;
	s9 =	sadd.s32 s9, s8  }
0xe: {  	s4 =	sadd.s32 $0x400, s6;
	s5 =	sadd.s32 $0x2EE00, s29;
	s6 =	sadd.s32 $0x30700, s29  }
0xf: {  	s8 =	sadd.s32 $0x1900, s9;
	s9 =	sadd.s32 s12, s31;
	s12 =	simm.s32 $0x6400  }
.LBB2_1:
0x10: {  	[tilespmem:s2], [sflag:$0x3] =	stream.linear.gather [hbm4b:s4+s2], $0x6400, $0x38;
	[tilespmem:$0x1F400] =	vst v63  }
0x11: {  	_ =	swait.ge [sflag:s10], $0x6400  }
0x12: {  	[sflag:s10] =	ssyncset.done $0x0  }
0x13: {  	[sflag:s10] =	ssyncadd.s32 $0xFFFF9C00  }
0x14: {  	[tilespmem:s12], [sflag:$0x1] =	stream.indirect.gather [hbm4b:s3+s11], $0x40, s2, s11, $0xb8;
	[tilespmem:$0x1F400] =	vst v63  }
0x15: {  	_ = 	snop  }
0x16: {  	[tilespmem:s13], [sflag:$0x2] =	stream.indirect.gather [hbm4b:s3+s11], $0x40, s11, s11, $0xb8;
	[tilespmem:$0x1F400] =	vst v63  }
0x17: {  	_ =	swait.ge [sflag:s14], $0xC800  }
0x18: {  	[sflag:s14] =	ssyncset.done $0x0  }
0x19: {  	s17 =	sadd.s32 $0x0, s9;
	[sflag:s14] =	ssyncadd.s32 $0xFFFF3800  }
0x1a: {  	[hbm4b:s17+s2] =	stream.linear.scatter [tilespmem:s12], [sflag:$0x3], $0xC800, $0x38;
	[tilespmem:$0x1F400] =	vst v63  }
0x1b: {  	_ =	swait.ge [sflag:s10], $0xC800  }
0x1c: {  	[sflag:s10] =	ssyncset.done $0x0  }
0x1d: {  	s30 =	simm.s32 $0x640;
	[sflag:s10] =	ssyncadd.s32 $0xFFFF3800  }
0x1e: {  	[tilespmem:s12], [sflag:$0x1] =	stream.indirect.gather [hbm4b:s3+s11], $0x40, s30, s11, $0xb8;
	[tilespmem:$0x1F400] =	vst v63  }
0x1f: {  	_ =	swait.ge [sflag:s15], $0xC800  }
0x20: {  	[sflag:s15] =	ssyncset.done $0x0  }
0x21: {  	s31 =	sadd.s32 $0x0, s8;
	[sflag:s15] =	ssyncadd.s32 $0xFFFF3800  }
0x22: {  	[hbm4b:s31+s2] =	stream.linear.scatter [tilespmem:s13], [sflag:$0x3], $0xC800, $0x38;
	[tilespmem:$0x1F400] =	vst v63  }
0x23: {  	_ =	swait.ge [sflag:s10], $0xC800  }
0x24: {  	s18 =	simm.s32 $0x3200;
	[sflag:s10] =	ssyncset.done $0x0  }
0x25: {  	s19 =	simm.s32 $0xFA0;
	s17 =	simm.s32 $0x960;
	[sflag:s10] =	ssyncadd.s32 $0xFFFF3800  }
.LBB2_2:
0x26: {  	[tilespmem:s13], [sflag:$0x2] =	stream.indirect.gather [hbm4b:s3+s11], $0x40, s17, s11, $0xb8;
	[tilespmem:$0x1F400] =	vst v63  }
0x27: {  	s20 =	smov.u32 s18;
	s17 =	smov.u32 s19  }
0x28: {  	p0 =	sne.s32 s18, $0x2BC00;
	s18 =	sadd.s32 $0x3200, s18;
	_ =	swait.ge [sflag:s14], $0xC800  }
0x29: {  	[sflag:s14] =	ssyncset.done $0x0  }
0x2a: {  	s21 =	sadd.s32 s20, s9;
	[sflag:s14] =	ssyncadd.s32 $0xFFFF3800  }
0x2b: {  	[hbm4b:s21+s2] =	stream.linear.scatter [tilespmem:s12], [sflag:$0x3], $0xC800, $0x38;
	[tilespmem:$0x1F400] =	vst v63  }
0x2c: {  	_ =	swait.ge [sflag:s10], $0xC800  }
0x2d: {  	[sflag:s10] =	ssyncset.done $0x0  }
0x2e: {  	s21 =	sadd.s32 $0xFFFFFCE0, s19;
	[sflag:s10] =	ssyncadd.s32 $0xFFFF3800  }
0x2f: {  	[tilespmem:s12], [sflag:$0x1] =	stream.indirect.gather [hbm4b:s3+s11], $0x40, s21, s11, $0xb8;
	[tilespmem:$0x1F400] =	vst v63  }
0x30: {  	_ =	swait.ge [sflag:s15], $0xC800  }
0x31: {  	[sflag:s15] =	ssyncset.done $0x0  }
.Ltmp0:
0x32: {  	s20 =	sadd.s32 s20, s8;
	[sflag:s15] =	ssyncadd.s32 $0xFFFF3800;
	(pc) =	sbr.rel @p0 .LBB2_2-.Ltmp0, $4  }
0x33: {  	[hbm4b:s20+s2] =	stream.linear.scatter [tilespmem:s13], [sflag:$0x3], $0xC800, $0x38;
	[tilespmem:$0x1F400] =	vst v63  }
0x34: {  	_ =	swait.ge [sflag:s10], $0xC800  }
0x35: {  	[sflag:s10] =	ssyncset.done $0x0  }
0x36: {  	s19 =	sadd.s32 $0x640, s19;
	[sflag:s10] =	ssyncadd.s32 $0xFFFF3800  }
0x37: {  	[tilespmem:s13], [sflag:$0x2] =	stream.indirect.gather [hbm4b:s3+s11], $0x40, s17, s11, $0xb8;
	[tilespmem:$0x1F400] =	vst v63  }
0x38: {  	_ =	swait.ge [sflag:s14], $0xC800  }
0x39: {  	[sflag:s14] =	ssyncset.done $0x0  }
0x3a: {  	[sflag:s14] =	ssyncadd.s32 $0xFFFF3800  }
0x3b: {  	[hbm4b:s5+s2] =	stream.linear.scatter [tilespmem:s12], [sflag:$0x3], $0xC800, $0x38;
	[tilespmem:$0x1F400] =	vst v63  }
0x3c: {  	_ =	swait.ge [sflag:s10], $0xC800  }
0x3d: {  	[sflag:s10] =	ssyncset.done $0x0  }
0x3e: {  	[sflag:s10] =	ssyncadd.s32 $0xFFFF3800  }
0x3f: {  	s16 =	sadd.s32 $0x1, s16;
	_ =	swait.ge [sflag:s15], $0xC800  }
0x40: {  	p0 =	sne.s32 s16, s7;
	[sflag:s15] =	ssyncset.done $0x0  }
.Ltmp1:
0x41: {  	[sflag:s15] =	ssyncadd.s32 $0xFFFF3800;
	(pc) =	sbr.rel @p0 .LBB2_1-.Ltmp1, $4  }
0x42: {  	[hbm4b:s6+s2] =	stream.linear.scatter [tilespmem:s13], [sflag:$0x3], $0xC800, $0x38;
	[tilespmem:$0x1F400] =	vst v63  }
0x43: {  	_ =	swait.ge [sflag:s10], $0xC800  }
0x44: {  	[sflag:s10] =	ssyncset.done $0x0  }
0x45: {  	[sflag:s10] =	ssyncadd.s32 $0xFFFF3800  }
0x46: {  	_ =	sfence.sel $0x180000  }
0x47: {  	[bflag:$0x0] =	sbarrier.arrive $0xFFFF  }
0x48: {  	p0 =	sne.s32 s0, $0x0;
	_ =	strace $0x90000047  }
0x49: {  	s0 =	sadd.s32 @!p0 $0x100000, s1;
	[bflag:$0x2] =	sbarrier.arrive $0xFFFF  }
0x4a: {  	[sflag:s0] =	ssyncadd.tile.s32 @!p0 $0x1;
	_ =	shalt  }
.Lfunc_end2:
_tile_overlayer_lowered:
.L_overlay_start_2:
0x4b: {  	(tag) =	ssettag $0x2  }
0x4c: {  	s0 =	rddreg [dreg:$0x0];
	s2 =	stileid.u32  }
0x4d: {  	s1 =	rddreg [dreg:$0x1];
	p0 =	sne.s32 s2, $0x0  }
0x4e: {  	s3 =	rddreg [dreg:$0x2];
	[bflag:$0x3] =	sbarrier.arrive $0xFFFF;
	s2 =	simm.s32 @!p0 $0x1C03  }
0x4f: {  	[timem:s3], [sflag:s2] =	dma.local @!p0 [hbm:s0], s1  }
0x50: {  	s0 =	simm.s32 @!p0 $0x3  }
0x51: {  	_ =	swait.ge @!p0 [sflag:s0], s1  }
0x52: {  	s1 =	ssub.s32 @!p0 $0x0, s1;
	[sflag:s0] =	ssyncset.done @!p0 $0x0  }
0x53: {  	[sflag:s0] =	ssyncadd.s32 @!p0 s1  }
0x54: {  	[bflag:$0x3] =	sbarrier.arrive $0xFFFF  }
0x55: {  	_ =	shalt  }

</sc_bundles>
